<compile_context>
chip_gen: v7x
topology: tpu7x:2x2x1
jax: 0.10.2.dev20260603
libtpu: 0.0.44.dev20260713+nightly
codegen_flags: <defaults>
</compile_context>

<pallas_src>
import functools

import jax
import jax.numpy as jnp
from jax import lax
from jax.experimental import pallas as pl
from jax.experimental.pallas import tpu as pltpu
from jax.experimental.pallas import tpu_sc as plsc

B = 320000
D = 128
NC = 2
NS = 16
NW = NC * NS
R = 64
NCHUNKS = B // R
L = 16


def _body(table_hbm, conn_hbm, out_hbm, raw_v, idx_v, rows_v, sem):
    wid = lax.axis_index("s") * NC + lax.axis_index("c")
    nfull = NCHUNKS // NW
    extra = NCHUNKS - nfull * NW
    n_mine = nfull + jnp.where(wid < extra, 1, 0)

    def chunk(k, carry):
        ci = wid + k * NW
        pltpu.sync_copy(conn_hbm.at[pl.ds(ci * (2 * R), 2 * R)], raw_v)
        for j in range(R // L):
            pos = (lax.iota(jnp.int32, L) + (j * L)) * 2
            idx_v[pl.ds(j * L, L)] = plsc.load_gather(raw_v, [pos])
        pltpu.async_copy(table_hbm.at[idx_v], rows_v, sem).wait()
        pltpu.sync_copy(rows_v, out_hbm.at[pl.ds(ci * R, R)])
        return carry

    lax.fori_loop(0, n_mine, chunk, None)


def kernel(atom_matrix, connectivity):
    mesh = plsc.VectorSubcoreMesh(core_axis_name="c", subcore_axis_name="s")
    k = functools.partial(
        pl.kernel,
        mesh=mesh,
        out_type=jax.ShapeDtypeStruct((B, D), jnp.float32),
        compiler_params=pltpu.CompilerParams(needs_layout_passes=False),
        scratch_types=[
            pltpu.VMEM((2 * R,), jnp.int32),
            pltpu.VMEM((R,), jnp.int32),
            pltpu.VMEM((R, D), jnp.float32),
            pltpu.SemaphoreType.DMA,
        ],
    )(_body)
    return k(atom_matrix, connectivity.reshape(-1))

# --- scband reference (transcript-rebuilt; emitter-appended) ---
"""Pipeline reference for scband-gather-atom-to-bond-60971355734156 (READ-ONLY COPY).

The authoritative reference and input builder live on the scoring server;
editing this copy changes nothing except your own understanding.
"""

import jax, jax.numpy as jnp
import numpy as np

INDEX = 0

def setup_inputs(seed: int = 0) -> dict:
    key = jax.random.key(seed)
    k1, k2 = jax.random.split(key)
    atom_matrix = jax.random.normal(k1, (10000, 128), dtype=jnp.float32)
    connectivity = jax.random.randint(k2, (320000, 2), 0, 10000, dtype=jnp.int64 if jax.config.jax_enable_x64 else jnp.int32).astype(jnp.int32)
    return {"atom_matrix": atom_matrix, "connectivity": connectivity}

def reference(atom_matrix, connectivity):
    # GatherAtomToBond: reindex atom features onto bonds via one column of connectivity
    return jnp.take(atom_matrix, connectivity[:, INDEX], axis=0)

if __name__ == "__main__":
    import jax
    _d = setup_inputs()
    print(jax.jit(kernel)(*tuple(_d.values())))

</pallas_src>

<mosaic_0001>
#map = affine_map<(d0, d1) -> (0, 0)>
#map1 = affine_map<(d0, d1) -> (0)>
module attributes {stable_mosaic.version = 14 : i64} {
  func.func @_body(%arg0: i32, %arg1: i32, %arg2: memref<10000x128xf32, #tpu.memory_space<hbm>>, %arg3: memref<640000xi32, #tpu.memory_space<hbm>>, %arg4: memref<320000x128xf32, #tpu.memory_space<hbm>>, %arg5: memref<128xi32, #tpu.memory_space<vmem>>, %arg6: memref<64xi32, #tpu.memory_space<vmem>>, %arg7: memref<64x128xf32, #tpu.memory_space<vmem>>, %arg8: memref<!tpu.dma_semaphore, #tpu.memory_space<semaphore_mem>>) attributes {dimension_semantics = [#tpu.dimension_semantics<core_parallel>, #tpu.dimension_semantics<subcore_parallel>], iteration_bounds = array<i64: 2, 16>, scalar_prefetch = 0 : i64, scratch_operands = 4 : i64, tpu.core_type = #tpu.core_type<sc_vector_subcore>, window_params = [{transform_indices = #map}, {transform_indices = #map1}, {transform_indices = #map}]} {
    %mul3A = arith.constant 2 : i32
    %mul3A_0 = arith.muli %arg1, %mul3A : i32
    %add3A = arith.addi %mul3A_0, %arg0 : i32
    %lt3A = arith.constant 8 : i32
    %lt3A_1 = arith.cmpi slt, %add3A, %lt3A : i32
    %jit3A = arith.constant 1 : i32
    %jit3A_2 = arith.constant 0 : i32
    %select_n3A = arith.select %lt3A_1, %jit3A, %jit3A_2 : i32
    %add3A_3 = arith.constant 156 : i32
    %add3A_4 = arith.addi %add3A_3, %select_n3A : i32
    %while3A = arith.constant 0 : i32
    %while3A_5 = arith.subi %add3A_4, %while3A : i32
    %while3A_6 = arith.addi %while3A, %while3A_5 : i32
    %while3A_7 = arith.constant 1 : i32
    %while3A_8 = arith.divsi %while3A_5, %while3A_7 : i32
    %while3A_9 = arith.muli %while3A_8, %while3A_7 : i32
    %while3A_10 = arith.addi %while3A, %while3A_9 : i32
    %while3A_11 = arith.constant 1 : i32
    scf.for %while3A_13 = %while3A to %while3A_10 step %while3A_11  : i32 {
      %mul3A_14 = arith.constant 32 : i32
      %mul3A_15 = arith.muli %while3A_13, %mul3A_14 : i32
      %add3A_16 = arith.addi %add3A, %mul3A_15 : i32
      %mul3A_17 = arith.constant 128 : i32
      %mul3A_18 = arith.muli %add3A_16, %mul3A_17 : i32
      "tpu.region"() ({
        %run_scoped3A = tpu.sem_alloc : memref<!tpu.dma_semaphore, #tpu.memory_space<semaphore_mem>>
        %dma_start3A_62 = tpu.memref_slice %arg3[%mul3A_18] : memref<640000xi32, #tpu.memory_space<hbm>> -> memref<128xi32, #tpu.memory_space<hbm>>
        %dma_start3A_63 = tpu.memref_slice %arg3[%mul3A_18] : memref<640000xi32, #tpu.memory_space<hbm>> -> memref<128xi32, #tpu.memory_space<hbm>>
        tpu.enqueue_dma source(%dma_start3A_63 : memref<128xi32, #tpu.memory_space<hbm>>) target(%arg5 : memref<128xi32, #tpu.memory_space<vmem>>) target_semaphore(%run_scoped3A : memref<!tpu.dma_semaphore, #tpu.memory_space<semaphore_mem>>)
        %dma_wait3A_64 = tpu.memref_slice %arg3[%mul3A_18] : memref<640000xi32, #tpu.memory_space<hbm>> -> memref<128xi32, #tpu.memory_space<hbm>>
        %dma_wait3A_65 = tpu.memref_slice %arg3[%mul3A_18] : memref<640000xi32, #tpu.memory_space<hbm>> -> memref<128xi32, #tpu.memory_space<hbm>>
        tpu.wait_dma2 semaphore(%run_scoped3A : memref<!tpu.dma_semaphore, #tpu.memory_space<semaphore_mem>>) src(%dma_wait3A_65 : memref<128xi32, #tpu.memory_space<hbm>>) dst(%arg5 : memref<128xi32, #tpu.memory_space<vmem>>)
        tpu.yield
      }) : () -> ()
      %iota3A = tpu.iota {dimensions = array<i32: 0>} : vector<16xi32>
      %add3A_19 = arith.constant 0 : i32
      %add3A_20 = vector.broadcast %add3A_19 : i32 to vector<16xi32>
      %add3A_21 = arith.addi %iota3A, %add3A_20 : vector<16xi32>
      %mul3A_22 = arith.constant 2 : i32
      %mul3A_23 = vector.broadcast %mul3A_22 : i32 to vector<16xi32>
      %mul3A_24 = arith.muli %add3A_21, %mul3A_23 : vector<16xi32>
      %gather3A = tpu.vector_load_idx %arg5[%mul3A_24] : memref<128xi32, #tpu.memory_space<vmem>>[vector<16xi32>], vector<16xi32>,
      %swap3A = arith.constant 0 : index
      %swap3A_25 = tpu.vector_load %arg6[%swap3A] {strides = array<i32>} : memref<64xi32, #tpu.memory_space<vmem>>, vector<16xi32>,
      tpu.vector_store %arg6[%swap3A], %gather3A {strides = array<i32>} : memref<64xi32, #tpu.memory_space<vmem>>, vector<16xi32>,
      %iota3A_26 = tpu.iota {dimensions = array<i32: 0>} : vector<16xi32>
      %add3A_27 = arith.constant 16 : i32
      %add3A_28 = vector.broadcast %add3A_27 : i32 to vector<16xi32>
      %add3A_29 = arith.addi %iota3A_26, %add3A_28 : vector<16xi32>
      %mul3A_30 = arith.constant 2 : i32
      %mul3A_31 = vector.broadcast %mul3A_30 : i32 to vector<16xi32>
      %mul3A_32 = arith.muli %add3A_29, %mul3A_31 : vector<16xi32>
      %gather3A_33 = tpu.vector_load_idx %arg5[%mul3A_32] : memref<128xi32, #tpu.memory_space<vmem>>[vector<16xi32>], vector<16xi32>,
      %swap3A_34 = arith.constant 16 : index
      %swap3A_35 = tpu.vector_load %arg6[%swap3A_34] {strides = array<i32>} : memref<64xi32, #tpu.memory_space<vmem>>, vector<16xi32>,
      tpu.vector_store %arg6[%swap3A_34], %gather3A_33 {strides = array<i32>} : memref<64xi32, #tpu.memory_space<vmem>>, vector<16xi32>,
      %iota3A_36 = tpu.iota {dimensions = array<i32: 0>} : vector<16xi32>
      %add3A_37 = arith.constant 32 : i32
      %add3A_38 = vector.broadcast %add3A_37 : i32 to vector<16xi32>
      %add3A_39 = arith.addi %iota3A_36, %add3A_38 : vector<16xi32>
      %mul3A_40 = arith.constant 2 : i32
      %mul3A_41 = vector.broadcast %mul3A_40 : i32 to vector<16xi32>
      %mul3A_42 = arith.muli %add3A_39, %mul3A_41 : vector<16xi32>
      %gather3A_43 = tpu.vector_load_idx %arg5[%mul3A_42] : memref<128xi32, #tpu.memory_space<vmem>>[vector<16xi32>], vector<16xi32>,
      %swap3A_44 = arith.constant 32 : index
      %swap3A_45 = tpu.vector_load %arg6[%swap3A_44] {strides = array<i32>} : memref<64xi32, #tpu.memory_space<vmem>>, vector<16xi32>,
      tpu.vector_store %arg6[%swap3A_44], %gather3A_43 {strides = array<i32>} : memref<64xi32, #tpu.memory_space<vmem>>, vector<16xi32>,
      %iota3A_46 = tpu.iota {dimensions = array<i32: 0>} : vector<16xi32>
      %add3A_47 = arith.constant 48 : i32
      %add3A_48 = vector.broadcast %add3A_47 : i32 to vector<16xi32>
      %add3A_49 = arith.addi %iota3A_46, %add3A_48 : vector<16xi32>
      %mul3A_50 = arith.constant 2 : i32
      %mul3A_51 = vector.broadcast %mul3A_50 : i32 to vector<16xi32>
      %mul3A_52 = arith.muli %add3A_49, %mul3A_51 : vector<16xi32>
      %gather3A_53 = tpu.vector_load_idx %arg5[%mul3A_52] : memref<128xi32, #tpu.memory_space<vmem>>[vector<16xi32>], vector<16xi32>,
      %swap3A_54 = arith.constant 48 : index
      %swap3A_55 = tpu.vector_load %arg6[%swap3A_54] {strides = array<i32>} : memref<64xi32, #tpu.memory_space<vmem>>, vector<16xi32>,
      tpu.vector_store %arg6[%swap3A_54], %gather3A_53 {strides = array<i32>} : memref<64xi32, #tpu.memory_space<vmem>>, vector<16xi32>,
      %dma_start3A = arith.constant 0 : i32
      %dma_start3A_56 = arith.constant 0 : i32
      %dma_start3A_57 = tpu.memref_slice %arg2[%dma_start3A, %dma_start3A_56] : memref<10000x128xf32, #tpu.memory_space<hbm>> -> memref<10000x128xf32, #tpu.memory_space<hbm>>
      tpu.enqueue_indirect_dma source(%dma_start3A_57 : memref<10000x128xf32, #tpu.memory_space<hbm>>) target(%arg7 : memref<64x128xf32, #tpu.memory_space<vmem>>) offsets(%arg6 : memref<64xi32, #tpu.memory_space<vmem>>) semaphore(%arg8 : memref<!tpu.dma_semaphore, #tpu.memory_space<semaphore_mem>>)
      %dma_wait3A = arith.constant 0 : i32
      %dma_wait3A_58 = arith.constant 0 : i32
      %dma_wait3A_59 = tpu.memref_slice %arg2[%dma_wait3A, %dma_wait3A_58] : memref<10000x128xf32, #tpu.memory_space<hbm>> -> memref<10000x128xf32, #tpu.memory_space<hbm>>
      tpu.wait_indirect_dma semaphore(%arg8 : memref<!tpu.dma_semaphore, #tpu.memory_space<semaphore_mem>>) src(%dma_wait3A_59 : memref<10000x128xf32, #tpu.memory_space<hbm>>) dst(%arg7 : memref<64x128xf32, #tpu.memory_space<vmem>>)
      %mul3A_60 = arith.constant 64 : i32
      %mul3A_61 = arith.muli %add3A_16, %mul3A_60 : i32
      "tpu.region"() ({
        %run_scoped3A = tpu.sem_alloc : memref<!tpu.dma_semaphore, #tpu.memory_space<semaphore_mem>>
        %dma_start3A_62 = arith.constant 0 : i32
        %dma_start3A_63 = tpu.memref_slice %arg4[%mul3A_61, %dma_start3A_62] : memref<320000x128xf32, #tpu.memory_space<hbm>> -> memref<64x128xf32, #tpu.memory_space<hbm>>
        %dma_start3A_64 = arith.constant 0 : i32
        %dma_start3A_65 = tpu.memref_slice %arg4[%mul3A_61, %dma_start3A_64] : memref<320000x128xf32, #tpu.memory_space<hbm>> -> memref<64x128xf32, #tpu.memory_space<hbm>>
        tpu.enqueue_dma source(%arg7 : memref<64x128xf32, #tpu.memory_space<vmem>>) target(%dma_start3A_65 : memref<64x128xf32, #tpu.memory_space<hbm>>) target_semaphore(%run_scoped3A : memref<!tpu.dma_semaphore, #tpu.memory_space<semaphore_mem>>)
        %dma_wait3A_66 = arith.constant 0 : i32
        %dma_wait3A_67 = tpu.memref_slice %arg4[%mul3A_61, %dma_wait3A_66] : memref<320000x128xf32, #tpu.memory_space<hbm>> -> memref<64x128xf32, #tpu.memory_space<hbm>>
        %dma_wait3A_68 = arith.constant 0 : i32
        %dma_wait3A_69 = tpu.memref_slice %arg4[%mul3A_61, %dma_wait3A_68] : memref<320000x128xf32, #tpu.memory_space<hbm>> -> memref<64x128xf32, #tpu.memory_space<hbm>>
        tpu.wait_dma2 semaphore(%run_scoped3A : memref<!tpu.dma_semaphore, #tpu.memory_space<semaphore_mem>>) src(%arg7 : memref<64x128xf32, #tpu.memory_space<vmem>>) dst(%dma_wait3A_69 : memref<64x128xf32, #tpu.memory_space<hbm>>)
        tpu.yield
      }) : () -> ()
    }
    %while3A_12 = arith.constant 1 : i32
    scf.for %while3A_13 = %while3A_10 to %while3A_6 step %while3A_12  : i32 {
      %mul3A_14 = arith.constant 32 : i32
      %mul3A_15 = arith.muli %while3A_13, %mul3A_14 : i32
      %add3A_16 = arith.addi %add3A, %mul3A_15 : i32
      %mul3A_17 = arith.constant 128 : i32
      %mul3A_18 = arith.muli %add3A_16, %mul3A_17 : i32
      "tpu.region"() ({
        %run_scoped3A = tpu.sem_alloc : memref<!tpu.dma_semaphore, #tpu.memory_space<semaphore_mem>>
        %dma_start3A_62 = tpu.memref_slice %arg3[%mul3A_18] : memref<640000xi32, #tpu.memory_space<hbm>> -> memref<128xi32, #tpu.memory_space<hbm>>
        %dma_start3A_63 = tpu.memref_slice %arg3[%mul3A_18] : memref<640000xi32, #tpu.memory_space<hbm>> -> memref<128xi32, #tpu.memory_space<hbm>>
        tpu.enqueue_dma source(%dma_start3A_63 : memref<128xi32, #tpu.memory_space<hbm>>) target(%arg5 : memref<128xi32, #tpu.memory_space<vmem>>) target_semaphore(%run_scoped3A : memref<!tpu.dma_semaphore, #tpu.memory_space<semaphore_mem>>)
        %dma_wait3A_64 = tpu.memref_slice %arg3[%mul3A_18] : memref<640000xi32, #tpu.memory_space<hbm>> -> memref<128xi32, #tpu.memory_space<hbm>>
        %dma_wait3A_65 = tpu.memref_slice %arg3[%mul3A_18] : memref<640000xi32, #tpu.memory_space<hbm>> -> memref<128xi32, #tpu.memory_space<hbm>>
        tpu.wait_dma2 semaphore(%run_scoped3A : memref<!tpu.dma_semaphore, #tpu.memory_space<semaphore_mem>>) src(%dma_wait3A_65 : memref<128xi32, #tpu.memory_space<hbm>>) dst(%arg5 : memref<128xi32, #tpu.memory_space<vmem>>)
        tpu.yield
      }) : () -> ()
      %iota3A = tpu.iota {dimensions = array<i32: 0>} : vector<16xi32>
      %add3A_19 = arith.constant 0 : i32
      %add3A_20 = vector.broadcast %add3A_19 : i32 to vector<16xi32>
      %add3A_21 = arith.addi %iota3A, %add3A_20 : vector<16xi32>
      %mul3A_22 = arith.constant 2 : i32
      %mul3A_23 = vector.broadcast %mul3A_22 : i32 to vector<16xi32>
      %mul3A_24 = arith.muli %add3A_21, %mul3A_23 : vector<16xi32>
      %gather3A = tpu.vector_load_idx %arg5[%mul3A_24] : memref<128xi32, #tpu.memory_space<vmem>>[vector<16xi32>], vector<16xi32>,
      %swap3A = arith.constant 0 : index
      %swap3A_25 = tpu.vector_load %arg6[%swap3A] {strides = array<i32>} : memref<64xi32, #tpu.memory_space<vmem>>, vector<16xi32>,
      tpu.vector_store %arg6[%swap3A], %gather3A {strides = array<i32>} : memref<64xi32, #tpu.memory_space<vmem>>, vector<16xi32>,
      %iota3A_26 = tpu.iota {dimensions = array<i32: 0>} : vector<16xi32>
      %add3A_27 = arith.constant 16 : i32
      %add3A_28 = vector.broadcast %add3A_27 : i32 to vector<16xi32>
      %add3A_29 = arith.addi %iota3A_26, %add3A_28 : vector<16xi32>
      %mul3A_30 = arith.constant 2 : i32
      %mul3A_31 = vector.broadcast %mul3A_30 : i32 to vector<16xi32>
      %mul3A_32 = arith.muli %add3A_29, %mul3A_31 : vector<16xi32>
      %gather3A_33 = tpu.vector_load_idx %arg5[%mul3A_32] : memref<128xi32, #tpu.memory_space<vmem>>[vector<16xi32>], vector<16xi32>,
      %swap3A_34 = arith.constant 16 : index
      %swap3A_35 = tpu.vector_load %arg6[%swap3A_34] {strides = array<i32>} : memref<64xi32, #tpu.memory_space<vmem>>, vector<16xi32>,
      tpu.vector_store %arg6[%swap3A_34], %gather3A_33 {strides = array<i32>} : memref<64xi32, #tpu.memory_space<vmem>>, vector<16xi32>,
      %iota3A_36 = tpu.iota {dimensions = array<i32: 0>} : vector<16xi32>
      %add3A_37 = arith.constant 32 : i32
      %add3A_38 = vector.broadcast %add3A_37 : i32 to vector<16xi32>
      %add3A_39 = arith.addi %iota3A_36, %add3A_38 : vector<16xi32>
      %mul3A_40 = arith.constant 2 : i32
      %mul3A_41 = vector.broadcast %mul3A_40 : i32 to vector<16xi32>
      %mul3A_42 = arith.muli %add3A_39, %mul3A_41 : vector<16xi32>
      %gather3A_43 = tpu.vector_load_idx %arg5[%mul3A_42] : memref<128xi32, #tpu.memory_space<vmem>>[vector<16xi32>], vector<16xi32>,
      %swap3A_44 = arith.constant 32 : index
      %swap3A_45 = tpu.vector_load %arg6[%swap3A_44] {strides = array<i32>} : memref<64xi32, #tpu.memory_space<vmem>>, vector<16xi32>,
      tpu.vector_store %arg6[%swap3A_44], %gather3A_43 {strides = array<i32>} : memref<64xi32, #tpu.memory_space<vmem>>, vector<16xi32>,
      %iota3A_46 = tpu.iota {dimensions = array<i32: 0>} : vector<16xi32>
      %add3A_47 = arith.constant 48 : i32
      %add3A_48 = vector.broadcast %add3A_47 : i32 to vector<16xi32>
      %add3A_49 = arith.addi %iota3A_46, %add3A_48 : vector<16xi32>
      %mul3A_50 = arith.constant 2 : i32
      %mul3A_51 = vector.broadcast %mul3A_50 : i32 to vector<16xi32>
      %mul3A_52 = arith.muli %add3A_49, %mul3A_51 : vector<16xi32>
      %gather3A_53 = tpu.vector_load_idx %arg5[%mul3A_52] : memref<128xi32, #tpu.memory_space<vmem>>[vector<16xi32>], vector<16xi32>,
      %swap3A_54 = arith.constant 48 : index
      %swap3A_55 = tpu.vector_load %arg6[%swap3A_54] {strides = array<i32>} : memref<64xi32, #tpu.memory_space<vmem>>, vector<16xi32>,
      tpu.vector_store %arg6[%swap3A_54], %gather3A_53 {strides = array<i32>} : memref<64xi32, #tpu.memory_space<vmem>>, vector<16xi32>,
      %dma_start3A = arith.constant 0 : i32
      %dma_start3A_56 = arith.constant 0 : i32
      %dma_start3A_57 = tpu.memref_slice %arg2[%dma_start3A, %dma_start3A_56] : memref<10000x128xf32, #tpu.memory_space<hbm>> -> memref<10000x128xf32, #tpu.memory_space<hbm>>
      tpu.enqueue_indirect_dma source(%dma_start3A_57 : memref<10000x128xf32, #tpu.memory_space<hbm>>) target(%arg7 : memref<64x128xf32, #tpu.memory_space<vmem>>) offsets(%arg6 : memref<64xi32, #tpu.memory_space<vmem>>) semaphore(%arg8 : memref<!tpu.dma_semaphore, #tpu.memory_space<semaphore_mem>>)
      %dma_wait3A = arith.constant 0 : i32
      %dma_wait3A_58 = arith.constant 0 : i32
      %dma_wait3A_59 = tpu.memref_slice %arg2[%dma_wait3A, %dma_wait3A_58] : memref<10000x128xf32, #tpu.memory_space<hbm>> -> memref<10000x128xf32, #tpu.memory_space<hbm>>
      tpu.wait_indirect_dma semaphore(%arg8 : memref<!tpu.dma_semaphore, #tpu.memory_space<semaphore_mem>>) src(%dma_wait3A_59 : memref<10000x128xf32, #tpu.memory_space<hbm>>) dst(%arg7 : memref<64x128xf32, #tpu.memory_space<vmem>>)
      %mul3A_60 = arith.constant 64 : i32
      %mul3A_61 = arith.muli %add3A_16, %mul3A_60 : i32
      "tpu.region"() ({
        %run_scoped3A = tpu.sem_alloc : memref<!tpu.dma_semaphore, #tpu.memory_space<semaphore_mem>>
        %dma_start3A_62 = arith.constant 0 : i32
        %dma_start3A_63 = tpu.memref_slice %arg4[%mul3A_61, %dma_start3A_62] : memref<320000x128xf32, #tpu.memory_space<hbm>> -> memref<64x128xf32, #tpu.memory_space<hbm>>
        %dma_start3A_64 = arith.constant 0 : i32
        %dma_start3A_65 = tpu.memref_slice %arg4[%mul3A_61, %dma_start3A_64] : memref<320000x128xf32, #tpu.memory_space<hbm>> -> memref<64x128xf32, #tpu.memory_space<hbm>>
        tpu.enqueue_dma source(%arg7 : memref<64x128xf32, #tpu.memory_space<vmem>>) target(%dma_start3A_65 : memref<64x128xf32, #tpu.memory_space<hbm>>) target_semaphore(%run_scoped3A : memref<!tpu.dma_semaphore, #tpu.memory_space<semaphore_mem>>)
        %dma_wait3A_66 = arith.constant 0 : i32
        %dma_wait3A_67 = tpu.memref_slice %arg4[%mul3A_61, %dma_wait3A_66] : memref<320000x128xf32, #tpu.memory_space<hbm>> -> memref<64x128xf32, #tpu.memory_space<hbm>>
        %dma_wait3A_68 = arith.constant 0 : i32
        %dma_wait3A_69 = tpu.memref_slice %arg4[%mul3A_61, %dma_wait3A_68] : memref<320000x128xf32, #tpu.memory_space<hbm>> -> memref<64x128xf32, #tpu.memory_space<hbm>>
        tpu.wait_dma2 semaphore(%run_scoped3A : memref<!tpu.dma_semaphore, #tpu.memory_space<semaphore_mem>>) src(%arg7 : memref<64x128xf32, #tpu.memory_space<vmem>>) dst(%dma_wait3A_69 : memref<64x128xf32, #tpu.memory_space<hbm>>)
        tpu.yield
      }) : () -> ()
    }
    return
  }
}

</mosaic_0001>

<sc_bundles>
// kernel: kernel.3.cloned.1.call-start
scs
__scs_entry_jumppad:
0x0: {  	(pc) =	sbr.rel $0x88, $3  }
0x1: {  	(tag) =	ssettag $0x0;
	lr =	simm.s32 $0x1  }
0x2: {  	[smem:$0x3F9F] =	sst lr;
	_ =	strace $0xD0000000  }
0x3: {  	_ = 	snop  }
0x4: {  	_ = 	snop  }
0x5: {  	_ = 	snop  }
0x6: {  	_ = 	snop  }
0x7: {  	_ = 	snop  }
__scs_overlays_trampoline_lowered:
0x8: {  	[smem:$0x3FAE] =	sst s0  }
0x9: {  	[smem:$0x3FAF] =	sst s1  }
0xa: {  	[smem:$0x3FB0] =	sst s2  }
0xb: {  	[smem:$0x3FB1] =	sst s3  }
0xc: {  	[smem:$0x3FB2] =	sst s4  }
0xd: {  	[smem:$0x3FB3] =	sst s5  }
0xe: {  	[smem:$0x3FB4] =	sst s6  }
0xf: {  	[smem:$0x3FB5] =	sst s7  }
0x10: {  	[smem:$0x3FB6] =	sst s8  }
0x11: {  	[smem:$0x3FB7] =	sst s9;
	s0 =	simm.s32 @!p0 $0x0  }
0x12: {  	s1 =	sld [smem:$0x3F9D];
	s0 =	simm.s32 @p0 $0x1  }
0x13: {  	[smem:$0x3FB8] =	sst s0;
	s0 =	simm.s32 @!p1 $0x0  }
0x14: {  	s2 =	sld [smem:$0x3F9C];
	s0 =	simm.s32 @p1 $0x1  }
0x15: {  	[smem:$0x3FB9] =	sst s0;
	s0 =	simm.s32 @!p2 $0x0  }
0x16: {  	s3 =	sld [smem:$0x3FDB];
	s0 =	simm.s32 @p2 $0x1  }
0x17: {  	s4 =	simm.s32 $0x1BF5;
	[smem:$0x3FBB] =	sst s0  }
0x18: {  	s0 =	sld [smem:$0x3F9E];
	_ =	swait.ge [sflag:s4], $0x0  }
0x19: {  	s7 =	sld [smem:$0x3F9F]  }
0x1a: {  	s8 =	sadd.s32 $0xFFFFE003, lr  }
0x1b: {  	s9 =	sadd.s32 $0xFFFFFEF7, lr;
	s5 =	simm.s32 $0xFFFFFFFF;
	p2 =	slt.u32 s8, $0xFFFFF086  }
0x1c: {  	p1 =	slt.u32 s9, $0xF7A;
	s5 =	simm.s32 @!p2 $0x0  }
0x1d: {  	s5 =	simm.s32 @p1 $0x1;
	p0 =	seq.s32 s7, s2  }
0x1e: {  	s7 =	smul.u32 @!p0 $0xF7A, s2;
	p2 =	seq.s32 @!p0 s5, $0x0  }
0x1f: {  	s9 =	smul.u32 $0xF7A, s1;
	s8 =	simm.s32 @!p0 $0x1BF5;
	p2 =	por !p2, p0  }
0x20: {  	[sflag:s8] =	ssyncset.s32 @!p0 $0xFFFFF086;
	s6 =	sadd.s32 @!p0 s3, s7;
	s7 =	simm.s32 @!p0 $0x108  }
0x21: {  	s3 =	sadd.s32 s3, s9;
	s6 =	sadd.s32 @!p0 $0x88, s6;
	s7 =	simm.s32 @p2 $0x1082  }
0x22: {  	[simem:s7], [sflag:s8] =	dma.local @!p0 [hbm:s6], $0xF7A  }
0x23: {  	s9 =	sor.u32 $0xD0000000, s2;
	s6 =	simm.s32 $0x108;
	_ =	swait.ge @!p0 [sflag:s8], $0x0  }
0x24: {  	s3 =	sadd.s32 $0x88, s3;
	s6 =	simm.s32 @!p1 $0x1082;
	[sflag:s4] =	ssyncset.s32 $0xFFFFF086  }
0x25: {  	[simem:s6], [sflag:s4] =	dma.local [hbm:s3], $0xF7A  }
0x26: {  	[smem:$0x3F9F] =	sst s1;
	(tag) =	ssettag s2;
	_ =	strace s9  }
0x27: {  	s1 =	sld [smem:$0x3FAF]  }
0x28: {  	s2 =	sld [smem:$0x3FB0]  }
0x29: {  	s4 =	sld [smem:$0x3FB2]  }
0x2a: {  	p0 =	seq.s32 s5, $0x0;
	s5 =	sld [smem:$0x3FB3]  }
0x2b: {  	s6 =	sld [smem:$0x3FB4]  }
0x2c: {  	s7 =	sld [smem:$0x3FB5]  }
0x2d: {  	s3 =	simm.s32 $0x108;
	s8 =	sld [smem:$0x3FB6]  }
0x2e: {  	s3 =	simm.s32 @!p0 $0x1082;
	s9 =	sld [smem:$0x3FB7]  }
0x2f: {  	lr =	sadd.s32 s0, s3;
	s0 =	sld [smem:$0x3FAE]  }
0x30: {  	s3 =	sld [smem:$0x3FB1]  }
0x31: {  	[smem:$0x3FBA] =	sst s10  }
0x32: {  	s10 =	sld [smem:$0x3FB8];
	_ =	sdelay $0x3  }
0x33: {  	p0 =	seq.s32 s10, $0x1;
	s10 =	sld [smem:$0x3FBA];
	_ =	sdelay $0x3  }
0x34: {  	[smem:$0x3FBA] =	sst s10  }
0x35: {  	s10 =	sld [smem:$0x3FB9];
	_ =	sdelay $0x3  }
0x36: {  	p1 =	seq.s32 s10, $0x1;
	s10 =	sld [smem:$0x3FBA];
	_ =	sdelay $0x3  }
0x37: {  	[smem:$0x3FBA] =	sst s10  }
0x38: {  	s10 =	sld [smem:$0x3FBB]  }
0x39: {  	_ = 	snop;
	(pc) =	sbr.ind lr, $3  }
0x3a: {  	_ = 	snop  }
0x3b: {  	_ = 	snop  }
0x3c: {  	p2 =	seq.s32 s10, $0x1;
	s10 =	sld [smem:$0x3FBA]  }
0x3d: {  	_ =	shalt  }
0x3e: {  	_ =	shalt  }
0x3f: {  	_ =	shalt  }
0x40: {  	_ =	shalt  }
0x41: {  	_ =	shalt  }
0x42: {  	_ =	shalt  }
0x43: {  	_ =	shalt  }
0x44: {  	_ =	shalt  }
0x45: {  	_ =	shalt  }
0x46: {  	_ =	shalt  }
0x47: {  	_ =	shalt  }
0x48: {  	_ =	shalt  }
0x49: {  	_ =	shalt  }
0x4a: {  	_ =	shalt  }
0x4b: {  	_ =	shalt  }
0x4c: {  	_ =	shalt  }
0x4d: {  	_ =	shalt  }
0x4e: {  	_ =	shalt  }
0x4f: {  	_ =	shalt  }
0x50: {  	_ =	shalt  }
0x51: {  	_ =	shalt  }
0x52: {  	_ =	shalt  }
0x53: {  	_ =	shalt  }
0x54: {  	_ =	shalt  }
0x55: {  	_ =	shalt  }
0x56: {  	_ =	shalt  }
0x57: {  	_ =	shalt  }
0x58: {  	_ =	shalt  }
0x59: {  	_ =	shalt  }
0x5a: {  	_ =	shalt  }
0x5b: {  	_ =	shalt  }
0x5c: {  	_ =	shalt  }
0x5d: {  	_ =	shalt  }
0x5e: {  	_ =	shalt  }
0x5f: {  	_ =	shalt  }
0x60: {  	_ =	shalt  }
0x61: {  	_ =	shalt  }
0x62: {  	_ =	shalt  }
0x63: {  	_ =	shalt  }
0x64: {  	_ =	shalt  }
0x65: {  	_ =	shalt  }
0x66: {  	_ =	shalt  }
0x67: {  	_ =	shalt  }
0x68: {  	_ =	shalt  }
0x69: {  	_ =	shalt  }
0x6a: {  	_ =	shalt  }
0x6b: {  	_ =	shalt  }
0x6c: {  	_ =	shalt  }
0x6d: {  	_ =	shalt  }
0x6e: {  	_ =	shalt  }
0x6f: {  	_ =	shalt  }
0x70: {  	_ =	shalt  }
0x71: {  	_ =	shalt  }
0x72: {  	_ =	shalt  }
0x73: {  	_ =	shalt  }
0x74: {  	_ =	shalt  }
0x75: {  	_ =	shalt  }
0x76: {  	_ =	shalt  }
0x77: {  	_ =	shalt  }
0x78: {  	_ =	shalt  }
0x79: {  	_ =	shalt  }
0x7a: {  	_ =	shalt  }
0x7b: {  	_ =	shalt  }
0x7c: {  	_ =	shalt  }
0x7d: {  	_ =	shalt  }
0x7e: {  	_ =	shalt  }
0x7f: {  	_ =	shalt  }
0x80: {  	_ =	shalt  }
0x81: {  	_ =	shalt  }
0x82: {  	_ =	shalt  }
0x83: {  	_ =	shalt  }
0x84: {  	_ =	shalt  }
0x85: {  	_ =	shalt  }
0x86: {  	_ =	shalt  }
0x87: {  	_ =	shalt  }
.Lfunc_end0:
.L_simem_size_0:
called_computation_lowered:
.L_overlay_start_0:
0x88: {  	s2 =	sld [smem:$0x3FD9]  }
0x89: {  	s3 =	sld [smem:$0x3FFE];
	_ =	sdelay $0x1  }
0x8a: {  	s1 =	srdreg.scid  }
0x8b: {  	s0 =	sand.u32 $0x1, s1  }
0x8c: {  	s17 =	sshll.u32 s0, $0xA;
	s2 =	sadd.s32 s3, s2  }
0x8d: {  	s2 =	sadd.s32 s2, s17  }
0x8e: {  	[smem:$0x3FC6] =	sst s2  }
0x8f: {  	_ = 	snop  }
0x90: {  	s2 =	sld [smem:$0x3FC9]  }
0x91: {  	s18 =	sld [smem:$0x3FD0];
	(tm) =	ssettm $0x1  }
0x92: {  	s4 =	sld [smem:$0x3FFB];
	_ =	sdelay $0x3  }
0x93: {  	_ =	strace s4  }
0x94: {  	s4 =	sld [smem:$0x3FFC];
	_ =	sdelay $0x3  }
0x95: {  	_ =	strace s4  }
0x96: {  	s4 =	sld [smem:$0x3FFD];
	_ =	sdelay $0x3  }
0x97: {  	_ =	strace s4  }
0x98: {  	_ =	strace $0x8FFFFFFF  }
0x99: {  	s19 =	sld [smem:$0x3FDB];
	_ =	sdelay $0x1  }
0x9a: {  	s5 =	simm.s32 $_scs_section_size  }
0x9b: {  	s6 =	simm.s32 $_size__tile_overlayer_lowered;
	s7 =	simm.s32 $_tile_overlayer_lowered  }
0x9c: {  	s22 =	simm.s32 $0x1BFF;
	s21 =	sshll.u32 s7, $0x1;
	s4 =	sadd.s32 s5, s19  }
0x9d: {  	s8 =	simm.s32 $0x0;
	s20 =	sshll.u32 s6, $0x1;
	s6 =	sadd.s32 s21, s4  }
0x9e: {  	[timem:s8], [sflag:s22] =	dma.local [hbm:s6], s20  }
0x9f: {  	_ =	swait.ge [sflag:s22], s20  }
0xa0: {  	s5 =	ssub.s32 $0x0, s20;
	[sflag:s22] =	ssyncset.done $0x0  }
0xa1: {  	[sflag:s22] =	ssyncadd.s32 s5;
	_ =	sdelay $0x1  }
0xa2: {  	s23 =	simm.s32 $0x1B8B  }
0xa3: {  	_ =	swait.ge [sflag:s23], $0x1  }
0xa4: {  	[sflag:s23] =	ssyncset.done $0x0  }
0xa5: {  	s25 =	simm.s32 $0x1B8E;
	s24 =	sld [smem:$0x3FFE];
	[sflag:s23] =	ssyncadd.s32 $0xFFFFFFFF  }
0xa6: {  	s26 =	simm.s32 $execute0_lowered;
	[smem:$0x3FD2] =	sst s25  }
0xa7: {  	s6 =	sshll.u32 s26, $0x1;
	_ =	strace $0x80000046;
	[dreg:$0x1] =	wrdreg $0xFFFFFFFF  }
0xa8: {  	s28 =	simm.s32 $_size_execute0_lowered;
	s4 =	sadd.s32 s4, s6;
	[dreg:$0x0] =	wrdreg $0x0  }
0xa9: {  	s6 =	sshll.u32 s28, $0x1;
	[dreg:$0x2] =	wrdreg s4  }
0xaa: {  	[dreg:$0x3] =	wrdreg s6  }
0xab: {  	[dreg:$0x4] =	wrdreg $0xC0  }
0xac: {  	_ =	task [dreg:s8], $0x5FFFF  }
0xad: {  	[dreg:$0x1] =	wrdreg $0xFFFFFFFF  }
0xae: {  	[dreg:$0x0] =	wrdreg $0x60  }
0xaf: {  	[dreg:$0x2] =	wrdreg s2  }
0xb0: {  	[dreg:$0x3] =	wrdreg s24  }
0xb1: {  	[dreg:$0x4] =	wrdreg s18  }
0xb2: {  	[dreg:$0x5] =	wrdreg $0x9  }
0xb3: {  	_ =	task.clear_ibuf [dreg:s8], $0x6FFFF;
	_ =	strace $0x90000046  }
0xb4: {  	s29 =	simm.s32 $0x9;
	_ =	strace $0x80000048  }
0xb5: {  	_ =	swait.ge [sflag:s29], $0x1  }
0xb6: {  	[sflag:s29] =	ssyncadd.s32 $0xFFFFFFFF  }
0xb7: {  	_ =	strace $0x90000048  }
0xb8: {  	_ =	sfence  }
0xb9: {  	s30 =	sld [smem:$0x0];
	_ =	sdelay $0x2  }
0xba: {  	s31 =	sshll.u32 s1, $0xD;
	s1 =	sshrl.u32 s1, $0x2  }
0xbb: {  	s3 =	sand.u32 $0x4000, s31;
	s1 =	sadd.s32 s1, s30  }
0xbc: {  	s0 =	sor.u32 s3, s0;
	s1 =	sshll.u32 s1, $0x11  }
0xbd: {  	s0 =	sor.u32 s1, s0  }
0xbe: {  	s0 =	sadd.s32 $0x8F2B, s0  }
0xbf: {  	[sflag:s0] =	ssyncadd.remote.s32 $0x1  }
0xc0: {  	_ =	sfence.sel $0xFFFF  }
0xc1: {  	[dreg:$0x0] =	wrdreg $0xFFFFFFFF;
	(pc) =	sbr.abs _section_cstart, $3  }
0xc2: {  	[dreg:$0x1] =	wrdreg $0xFFFFFFFF  }
0xc3: {  	_ =	task.clear_ibuf [dreg:s8], $0x2FFFF;
	_ =	strace $0x9FFFFFFF  }
0xc4: {  	(tm) =	ssettm $0x7FFFFFFF  }
0xc5: {  	_ =	shalt  }
tec
execute0_lowered:
.L_overlay_start_1:
0x0: {  	(tag) =	ssettag $0x1  }
0x1: {  	s1 =	rddreg [dreg:$0x0]  }
0x2: {  	s4 =	rddreg [dreg:$0x1]  }
0x3: {  	s5 =	rddreg [dreg:$0x2]  }
0x4: {  	s0 =	rddreg [dreg:$0x3];
	s6 =	srdreg.scid  }
0x5: {  	s3 =	simm.s32 $0x0;
	s2 =	stileid.u32;
	s11 =	simm.s32 $0x100  }
0x6: {  	s12 =	simm.s32 $0x1;
	s13 =	simm.s32 $0x0;
	s6 =	sand.u32 $0x1, s6  }
0x7: {  	[smem:$0x7FF] =	sst s3;
	s7 =	sshll.u32 s2, $0x5;
	p0 =	slt.u32 s2, $0x4  }
0x8: {  	s9 =	sshll.u32 s2, $0xB;
	s8 =	ssub.s32 $0x2, s6;
	_ =	strace $0x80000047  }
0x9: {  	s7 =	sadd.s32 s7, s4;
	s4 =	simm.s32 $0x9D;
	s10 =	sshll.u32 s6, $0x4  }
0xa: {  	v0 =	vlaneseq.u32;
	s9 =	sadd.s32 s9, s5;
	s6 =	sshll.u32 s6, $0xA;
	s31 =	sshrl.u32 s8, $0x1  }
0xb: {  	v0 =	vmul.u32 $0x2, v0;
	s4 =	simm.s32 @!p0 $0x9C;
	s7 =	sadd.s32 s10, s7;
	s6 =	sadd.s32 s6, s9  }
0xc: {  	s9 =	simm.s32 $0x40;
	s10 =	simm.s32 $0x80;
	s8 =	ssub.s32 s8, s31  }
0xd: {  	v1 =	vor.u32 $0x20, v0;
	v2 =	vor.u32 $0x40, v0;
	v3 =	vor.u32 $0x60, v0;
	s7 =	sadd.s32 $0x400, s7;
	s5 =	smax.u32 s8, $0x1;
	s8 =	simm.s32 $0x2  }
.LBB2_1:
0xe: {  	[tilespmem:s3], [sflag:$0x2] =	stream.linear.gather [hbm4b:s7+s3], $0x80, $0x38;
	[tilespmem:$0x2100] =	vst v63  }
0xf: {  	_ =	swait.ge [sflag:s8], $0x80  }
0x10: {  	[sflag:s8] =	ssyncset.done $0x0  }
0x11: {  	[sflag:s8] =	ssyncadd.s32 $0xFFFFFF80  }
0x12: {  	v4 =	vld.idx.msk [tilespmem:v0+s3+$0x0], $0xffff;
	_ =	sdelay $0x4  }
0x13: {  	[tilespmem:$0x80] =	vst v4  }
0x14: {  	v4 =	vld.idx.msk [tilespmem:v1+s3+$0x0], $0xffff;
	_ =	sdelay $0x4  }
0x15: {  	[tilespmem:$0x90] =	vst v4  }
0x16: {  	v4 =	vld.idx.msk [tilespmem:v2+s3+$0x0], $0xffff;
	_ =	sdelay $0x4  }
0x17: {  	[tilespmem:$0xA0] =	vst v4  }
0x18: {  	v4 =	vld.idx.msk [tilespmem:v3+s3+$0x0], $0xffff;
	_ =	sdelay $0x4  }
0x19: {  	[tilespmem:$0xB0] =	vst v4  }
0x1a: {  	[tilespmem:s11], [sflag:$0x1] =	stream.indirect.gather [hbm4b:s1+s9], $0x80, s10, s9, $0xb8;
	[tilespmem:$0x2100] =	vst v63  }
0x1b: {  	p0 =	sne.s32 s4, $0x1;
	_ =	swait.ge [sflag:s12], $0x2000  }
.Ltmp0:
0x1c: {  	[sflag:s12] =	ssyncset.done $0x0;
	(pc) =	sbr.rel @!p0 .LBB2_3-.Ltmp0, $4  }
0x1d: {  	[sflag:s12] =	ssyncadd.s32 $0xFFFFE000  }
0x1e: {  	[hbm4b:s6+s3] =	stream.linear.scatter [tilespmem:s11], [sflag:$0x2], $0x2000, $0x38;
	[tilespmem:$0x2100] =	vst v63  }
0x1f: {  	s14 =	sadd.s32 $0xFFFFFFFF, s4;
	_ =	swait.ge [sflag:s8], $0x2000  }
0x20: {  	s15 =	smov.u32 s6;
	s16 =	smov.u32 s7;
	[sflag:s8] =	ssyncset.done $0x0  }
.LBB2_2:
0x21: {  	[sflag:s8] =	ssyncadd.s32 $0xFFFFE000;
	s15 =	sadd.s32 $0x8000, s15;
	s16 =	sadd.s32 $0x200, s16  }
0x22: {  	[tilespmem:s3], [sflag:$0x2] =	stream.linear.gather [hbm4b:s16+s3], $0x80, $0x38;
	[tilespmem:$0x2100] =	vst v63  }
0x23: {  	p0 =	sne.s32 s14, $0x1;
	s14 =	sadd.s32 $0xFFFFFFFF, s14;
	_ =	swait.ge [sflag:s8], $0x80  }
0x24: {  	[sflag:s8] =	ssyncset.done $0x0  }
0x25: {  	[sflag:s8] =	ssyncadd.s32 $0xFFFFFF80  }
0x26: {  	v4 =	vld.idx.msk [tilespmem:v0+s3+$0x0], $0xffff;
	_ =	sdelay $0x5  }
0x27: {  	[tilespmem:$0x80] =	vst v4  }
0x28: {  	v4 =	vld.idx.msk [tilespmem:v1+s3+$0x0], $0xffff;
	_ =	sdelay $0x5  }
0x29: {  	[tilespmem:$0x90] =	vst v4  }
0x2a: {  	v4 =	vld.idx.msk [tilespmem:v2+s3+$0x0], $0xffff;
	_ =	sdelay $0x5  }
0x2b: {  	[tilespmem:$0xA0] =	vst v4  }
0x2c: {  	v4 =	vld.idx.msk [tilespmem:v3+s3+$0x0], $0xffff;
	_ =	sdelay $0x5  }
0x2d: {  	[tilespmem:$0xB0] =	vst v4  }
0x2e: {  	[tilespmem:s11], [sflag:$0x1] =	stream.indirect.gather [hbm4b:s1+s9], $0x80, s10, s9, $0xb8;
	[tilespmem:$0x2100] =	vst v63  }
0x2f: {  	_ =	swait.ge [sflag:s12], $0x2000  }
.Ltmp1:
0x30: {  	[sflag:s12] =	ssyncset.done $0x0;
	(pc) =	sbr.rel @p0 .LBB2_2-.Ltmp1, $4  }
0x31: {  	[sflag:s12] =	ssyncadd.s32 $0xFFFFE000  }
0x32: {  	[hbm4b:s15+s3] =	stream.linear.scatter [tilespmem:s11], [sflag:$0x2], $0x2000, $0x38;
	[tilespmem:$0x2100] =	vst v63  }
0x33: {  	_ =	swait.ge [sflag:s8], $0x2000  }
0x34: {  	[sflag:s8] =	ssyncset.done $0x0  }
.LBB2_3:
0x35: {  	s13 =	sadd.s32 $0x1, s13  }
0x36: {  	p0 =	sne.s32 s13, s5  }
.Ltmp2:
0x37: {  	_ = 	snop;
	(pc) =	sbr.rel @p0 .LBB2_1-.Ltmp2, $2  }
0x38: {  	_ =	sdelay $0x2  }
0x39: {  	[sflag:s8] =	ssyncadd.s32 $0xFFFFE000  }
0x3a: {  	_ =	sfence.sel $0x180000  }
0x3b: {  	[bflag:$0x0] =	sbarrier.arrive $0xFFFF  }
0x3c: {  	p0 =	sne.s32 s2, $0x0;
	_ =	strace $0x90000047  }
0x3d: {  	s0 =	sadd.s32 @!p0 $0x100000, s0;
	[bflag:$0x2] =	sbarrier.arrive $0xFFFF  }
0x3e: {  	[sflag:s0] =	ssyncadd.tile.s32 @!p0 $0x1;
	_ =	shalt  }
.Lfunc_end2:
_tile_overlayer_lowered:
.L_overlay_start_2:
0x3f: {  	(tag) =	ssettag $0x2  }
0x40: {  	s0 =	rddreg [dreg:$0x0];
	s2 =	stileid.u32  }
0x41: {  	s1 =	rddreg [dreg:$0x1];
	p0 =	sne.s32 s2, $0x0  }
0x42: {  	s3 =	rddreg [dreg:$0x2];
	[bflag:$0x3] =	sbarrier.arrive $0xFFFF;
	s2 =	simm.s32 @!p0 $0x1C02  }
0x43: {  	[timem:s3], [sflag:s2] =	dma.local @!p0 [hbm:s0], s1  }
0x44: {  	s0 =	simm.s32 @!p0 $0x2  }
0x45: {  	_ =	swait.ge @!p0 [sflag:s0], s1  }
0x46: {  	s1 =	ssub.s32 @!p0 $0x0, s1;
	[sflag:s0] =	ssyncset.done @!p0 $0x0  }
0x47: {  	[sflag:s0] =	ssyncadd.s32 @!p0 s1  }
0x48: {  	[bflag:$0x3] =	sbarrier.arrive $0xFFFF  }
0x49: {  	_ =	shalt  }

</sc_bundles>
